<compile_context>
chip_gen: v7x
topology: tpu7x:2x2x1
jax: 0.10.2.dev20260603
libtpu: 0.0.44.dev20260713+nightly
codegen_flags: <defaults>
</compile_context>

<pallas_src>
import jax
import jax.numpy as jnp
from jax import lax
from jax.experimental import pallas as pl
from jax.experimental.pallas import tpu as pltpu
from jax.experimental.pallas import tpu_sc as plsc

B = 16
N = 16384
S = 1024
L = 16
NC, NS = 2, 16
BPC = B // NC
NCH = N // L
U = 8

_MESH = plsc.VectorSubcoreMesh(
    core_axis_name="c", subcore_axis_name="s", num_cores=NC, num_subcores=NS
)


def _fps_body(x_hbm, y_hbm, z_hbm, out_hbm, xv, yv, zv, dist_v, out_v):
    c = lax.axis_index("c")
    s = lax.axis_index("s")
    b = c * BPC + s

    @pl.when(s < BPC)
    def _run():
        pltpu.sync_copy(x_hbm.at[b], xv)
        pltpu.sync_copy(y_hbm.at[b], yv)
        pltpu.sync_copy(z_hbm.at[b], zv)

        big = jnp.full((L,), 1e10, jnp.float32)

        @pl.loop(0, NCH)
        def _init(j):
            dist_v[pl.ds(j * L, L)] = big

        lane = lax.iota(jnp.int32, L)
        m0 = lane == 0
        big_i = jnp.int32(2**31 - 1)

        def outer(t, far):
            far_vec = jnp.full((L,), far, jnp.int32)
            cx = plsc.load_gather(xv, [far_vec])
            cy = plsc.load_gather(yv, [far_vec])
            cz = plsc.load_gather(zv, [far_vec])

            pos = jnp.full((L,), 3 * t, jnp.int32)
            plsc.store_scatter(out_v, [pos], cx, mask=m0)
            plsc.store_scatter(out_v, [pos + 1], cy, mask=m0)
            plsc.store_scatter(out_v, [pos + 2], cz, mask=m0)

            def inner(jj, carry):
                best, bchunk = carry
                j0 = jj * U
                vals = []
                for u in range(U):
                    sl = pl.ds((j0 + u) * L, L)
                    dx = xv[sl] - cx
                    dy = yv[sl] - cy
                    dz = zv[sl] - cz
                    d = dx * dx + dy * dy + dz * dz
                    nd = jnp.minimum(dist_v[sl], d)
                    dist_v[sl] = nd
                    vals.append((nd, jnp.full((L,), j0 + u, jnp.int32)))
                while len(vals) > 1:
                    nxt = []
                    for a in range(0, len(vals), 2):
                        va, ia = vals[a]
                        vb, ib = vals[a + 1]
                        take_b = vb > va
                        nxt.append(
                            (jnp.maximum(va, vb), jnp.where(take_b, ib, ia))
                        )
                    vals = nxt
                v, i = vals[0]
                take = v > best
                return jnp.maximum(best, v), jnp.where(take, i, bchunk)

            best0 = jnp.full((L,), -1.0, jnp.float32)
            bchunk0 = jnp.zeros((L,), jnp.int32)
            best, bchunk = lax.fori_loop(0, NCH // U, inner, (best0, bchunk0))

            bidx = bchunk * L + lane
            mx = jnp.max(best)
            cand = jnp.where(best == mx, bidx, big_i)
            return jnp.min(cand)

        lax.fori_loop(0, S, outer, jnp.int32(0))
        pltpu.sync_copy(out_v, out_hbm.at[b])


_fps = pl.kernel(
    _fps_body,
    out_type=jax.ShapeDtypeStruct((B, 3 * S), jnp.float32),
    mesh=_MESH,
    compiler_params=pltpu.CompilerParams(needs_layout_passes=False),
    scratch_types=[
        pltpu.VMEM((N,), jnp.float32),
        pltpu.VMEM((N,), jnp.float32),
        pltpu.VMEM((N,), jnp.float32),
        pltpu.VMEM((N,), jnp.float32),
        pltpu.VMEM((3 * S,), jnp.float32),
    ],
)


def kernel(inputs):
    x = inputs[:, :, 0]
    y = inputs[:, :, 1]
    z = inputs[:, :, 2]
    out = _fps(x, y, z)
    return out.reshape(B, S, 3)

# --- scband reference (transcript-rebuilt; emitter-appended) ---
"""Pipeline reference for scband-fps-89223650607123 (READ-ONLY COPY).

The authoritative reference and input builder live on the scoring server;
editing this copy changes nothing except your own understanding.
"""

import jax, jax.numpy as jnp
import numpy as np

SAMPLES = 1024

def farthest_point_sample(nsamples, xyz):
    # xyz: [B, N, 3]
    B, N, _ = xyz.shape

    def body(carry, _):
        dist, farthest = carry  # dist: [B, N], farthest: [B]
        centroid = jnp.take_along_axis(xyz, farthest[:, None, None], axis=1)  # [B, 1, 3]
        d = jnp.sum((xyz - centroid) ** 2, axis=-1)  # [B, N]
        dist = jnp.minimum(dist, d)
        new_far = jnp.argmax(dist, axis=-1).astype(jnp.int32)
        return (dist, new_far), farthest

    init_dist = jnp.full((B, N), 1e10, dtype=xyz.dtype)
    init_far = jnp.zeros((B,), dtype=jnp.int32)
    (_, _), idxs = jax.lax.scan(body, (init_dist, init_far), None, length=nsamples)
    idxs = jnp.transpose(idxs)  # [B, nsamples]
    sampled = jnp.take_along_axis(xyz, idxs[..., None], axis=1)  # [B, nsamples, 3]
    return sampled


def setup_inputs(seed: int = 0) -> dict:
    key = jax.random.key(seed)
    inputs = jax.random.normal(key, (16, 16384, 3), dtype=jnp.float32)
    return {"inputs": inputs}


def reference(inputs):
    return farthest_point_sample(SAMPLES, inputs)

if __name__ == "__main__":
    import jax
    _d = setup_inputs()
    print(jax.jit(kernel)(*tuple(_d.values())))

</pallas_src>

<mosaic_0001>
#map = affine_map<(d0, d1) -> (0, 0)>
module attributes {stable_mosaic.version = 14 : i64} {
  func.func @_fps_body(%arg0: i32, %arg1: i32, %arg2: memref<16x16384xf32, #tpu.memory_space<hbm>>, %arg3: memref<16x16384xf32, #tpu.memory_space<hbm>>, %arg4: memref<16x16384xf32, #tpu.memory_space<hbm>>, %arg5: memref<16x3072xf32, #tpu.memory_space<hbm>>, %arg6: memref<16384xf32, #tpu.memory_space<vmem>>, %arg7: memref<16384xf32, #tpu.memory_space<vmem>>, %arg8: memref<16384xf32, #tpu.memory_space<vmem>>, %arg9: memref<16384xf32, #tpu.memory_space<vmem>>, %arg10: memref<3072xf32, #tpu.memory_space<vmem>>) attributes {dimension_semantics = [#tpu.dimension_semantics<core_parallel>, #tpu.dimension_semantics<subcore_parallel>], iteration_bounds = array<i64: 2, 16>, scalar_prefetch = 0 : i64, scratch_operands = 5 : i64, tpu.core_type = #tpu.core_type<sc_vector_subcore>, window_params = [{transform_indices = #map}, {transform_indices = #map}, {transform_indices = #map}, {transform_indices = #map}]} {
    %mul3A = arith.constant 8 : i32
    %mul3A_0 = arith.muli %arg0, %mul3A : i32
    %add3A = arith.addi %mul3A_0, %arg1 : i32
    %lt3A = arith.constant 8 : i32
    %lt3A_1 = arith.cmpi slt, %arg1, %lt3A : i32
    %convert_element_type3A = arith.extui %lt3A_1 : i1 to i32
    %cond3A = arith.constant 0 : i32
    %cond3A_2 = arith.cmpi ne, %convert_element_type3A, %cond3A : i32
    scf.if %cond3A_2 {
      "tpu.region"() ({
        %run_scoped3A = tpu.sem_alloc : memref<!tpu.dma_semaphore, #tpu.memory_space<semaphore_mem>>
        %dma_start3A = arith.constant 0 : i32
        %dma_start3A_18 = tpu.memref_slice %arg2[%add3A, %dma_start3A] : memref<16x16384xf32, #tpu.memory_space<hbm>> -> memref<1x16384xf32, #tpu.memory_space<hbm>>
        %dma_start3A_19 = tpu.memref_squeeze %dma_start3A_18 : memref<1x16384xf32, #tpu.memory_space<hbm>> -> memref<16384xf32, #tpu.memory_space<hbm>>
        %dma_start3A_20 = arith.constant 0 : i32
        %dma_start3A_21 = tpu.memref_slice %arg2[%add3A, %dma_start3A_20] : memref<16x16384xf32, #tpu.memory_space<hbm>> -> memref<1x16384xf32, #tpu.memory_space<hbm>>
        %dma_start3A_22 = tpu.memref_squeeze %dma_start3A_21 : memref<1x16384xf32, #tpu.memory_space<hbm>> -> memref<16384xf32, #tpu.memory_space<hbm>>
        tpu.enqueue_dma source(%dma_start3A_22 : memref<16384xf32, #tpu.memory_space<hbm>>) target(%arg6 : memref<16384xf32, #tpu.memory_space<vmem>>) target_semaphore(%run_scoped3A : memref<!tpu.dma_semaphore, #tpu.memory_space<semaphore_mem>>)
        %dma_wait3A = arith.constant 0 : i32
        %dma_wait3A_23 = tpu.memref_slice %arg2[%add3A, %dma_wait3A] : memref<16x16384xf32, #tpu.memory_space<hbm>> -> memref<1x16384xf32, #tpu.memory_space<hbm>>
        %dma_wait3A_24 = tpu.memref_squeeze %dma_wait3A_23 : memref<1x16384xf32, #tpu.memory_space<hbm>> -> memref<16384xf32, #tpu.memory_space<hbm>>
        %dma_wait3A_25 = arith.constant 0 : i32
        %dma_wait3A_26 = tpu.memref_slice %arg2[%add3A, %dma_wait3A_25] : memref<16x16384xf32, #tpu.memory_space<hbm>> -> memref<1x16384xf32, #tpu.memory_space<hbm>>
        %dma_wait3A_27 = tpu.memref_squeeze %dma_wait3A_26 : memref<1x16384xf32, #tpu.memory_space<hbm>> -> memref<16384xf32, #tpu.memory_space<hbm>>
        tpu.wait_dma2 semaphore(%run_scoped3A : memref<!tpu.dma_semaphore, #tpu.memory_space<semaphore_mem>>) src(%dma_wait3A_27 : memref<16384xf32, #tpu.memory_space<hbm>>) dst(%arg6 : memref<16384xf32, #tpu.memory_space<vmem>>)
        tpu.yield
      }) : () -> ()
      "tpu.region"() ({
        %run_scoped3A = tpu.sem_alloc : memref<!tpu.dma_semaphore, #tpu.memory_space<semaphore_mem>>
        %dma_start3A = arith.constant 0 : i32
        %dma_start3A_18 = tpu.memref_slice %arg3[%add3A, %dma_start3A] : memref<16x16384xf32, #tpu.memory_space<hbm>> -> memref<1x16384xf32, #tpu.memory_space<hbm>>
        %dma_start3A_19 = tpu.memref_squeeze %dma_start3A_18 : memref<1x16384xf32, #tpu.memory_space<hbm>> -> memref<16384xf32, #tpu.memory_space<hbm>>
        %dma_start3A_20 = arith.constant 0 : i32
        %dma_start3A_21 = tpu.memref_slice %arg3[%add3A, %dma_start3A_20] : memref<16x16384xf32, #tpu.memory_space<hbm>> -> memref<1x16384xf32, #tpu.memory_space<hbm>>
        %dma_start3A_22 = tpu.memref_squeeze %dma_start3A_21 : memref<1x16384xf32, #tpu.memory_space<hbm>> -> memref<16384xf32, #tpu.memory_space<hbm>>
        tpu.enqueue_dma source(%dma_start3A_22 : memref<16384xf32, #tpu.memory_space<hbm>>) target(%arg7 : memref<16384xf32, #tpu.memory_space<vmem>>) target_semaphore(%run_scoped3A : memref<!tpu.dma_semaphore, #tpu.memory_space<semaphore_mem>>)
        %dma_wait3A = arith.constant 0 : i32
        %dma_wait3A_23 = tpu.memref_slice %arg3[%add3A, %dma_wait3A] : memref<16x16384xf32, #tpu.memory_space<hbm>> -> memref<1x16384xf32, #tpu.memory_space<hbm>>
        %dma_wait3A_24 = tpu.memref_squeeze %dma_wait3A_23 : memref<1x16384xf32, #tpu.memory_space<hbm>> -> memref<16384xf32, #tpu.memory_space<hbm>>
        %dma_wait3A_25 = arith.constant 0 : i32
        %dma_wait3A_26 = tpu.memref_slice %arg3[%add3A, %dma_wait3A_25] : memref<16x16384xf32, #tpu.memory_space<hbm>> -> memref<1x16384xf32, #tpu.memory_space<hbm>>
        %dma_wait3A_27 = tpu.memref_squeeze %dma_wait3A_26 : memref<1x16384xf32, #tpu.memory_space<hbm>> -> memref<16384xf32, #tpu.memory_space<hbm>>
        tpu.wait_dma2 semaphore(%run_scoped3A : memref<!tpu.dma_semaphore, #tpu.memory_space<semaphore_mem>>) src(%dma_wait3A_27 : memref<16384xf32, #tpu.memory_space<hbm>>) dst(%arg7 : memref<16384xf32, #tpu.memory_space<vmem>>)
        tpu.yield
      }) : () -> ()
      "tpu.region"() ({
        %run_scoped3A = tpu.sem_alloc : memref<!tpu.dma_semaphore, #tpu.memory_space<semaphore_mem>>
        %dma_start3A = arith.constant 0 : i32
        %dma_start3A_18 = tpu.memref_slice %arg4[%add3A, %dma_start3A] : memref<16x16384xf32, #tpu.memory_space<hbm>> -> memref<1x16384xf32, #tpu.memory_space<hbm>>
        %dma_start3A_19 = tpu.memref_squeeze %dma_start3A_18 : memref<1x16384xf32, #tpu.memory_space<hbm>> -> memref<16384xf32, #tpu.memory_space<hbm>>
        %dma_start3A_20 = arith.constant 0 : i32
        %dma_start3A_21 = tpu.memref_slice %arg4[%add3A, %dma_start3A_20] : memref<16x16384xf32, #tpu.memory_space<hbm>> -> memref<1x16384xf32, #tpu.memory_space<hbm>>
        %dma_start3A_22 = tpu.memref_squeeze %dma_start3A_21 : memref<1x16384xf32, #tpu.memory_space<hbm>> -> memref<16384xf32, #tpu.memory_space<hbm>>
        tpu.enqueue_dma source(%dma_start3A_22 : memref<16384xf32, #tpu.memory_space<hbm>>) target(%arg8 : memref<16384xf32, #tpu.memory_space<vmem>>) target_semaphore(%run_scoped3A : memref<!tpu.dma_semaphore, #tpu.memory_space<semaphore_mem>>)
        %dma_wait3A = arith.constant 0 : i32
        %dma_wait3A_23 = tpu.memref_slice %arg4[%add3A, %dma_wait3A] : memref<16x16384xf32, #tpu.memory_space<hbm>> -> memref<1x16384xf32, #tpu.memory_space<hbm>>
        %dma_wait3A_24 = tpu.memref_squeeze %dma_wait3A_23 : memref<1x16384xf32, #tpu.memory_space<hbm>> -> memref<16384xf32, #tpu.memory_space<hbm>>
        %dma_wait3A_25 = arith.constant 0 : i32
        %dma_wait3A_26 = tpu.memref_slice %arg4[%add3A, %dma_wait3A_25] : memref<16x16384xf32, #tpu.memory_space<hbm>> -> memref<1x16384xf32, #tpu.memory_space<hbm>>
        %dma_wait3A_27 = tpu.memref_squeeze %dma_wait3A_26 : memref<1x16384xf32, #tpu.memory_space<hbm>> -> memref<16384xf32, #tpu.memory_space<hbm>>
        tpu.wait_dma2 semaphore(%run_scoped3A : memref<!tpu.dma_semaphore, #tpu.memory_space<semaphore_mem>>) src(%dma_wait3A_27 : memref<16384xf32, #tpu.memory_space<hbm>>) dst(%arg8 : memref<16384xf32, #tpu.memory_space<vmem>>)
        tpu.yield
      }) : () -> ()
      %broadcast_in_dim3A = arith.constant 1.000000e+10 : f32
      %broadcast_in_dim3A_3 = vector.broadcast %broadcast_in_dim3A : f32 to vector<16xf32>
      %scan3A = arith.constant 0 : i32
      %scan3A_4 = arith.constant 1024 : i32
      %scan3A_5 = arith.addi %scan3A, %scan3A_4 : i32
      %scan3A_6 = arith.constant 1 : i32
      scf.for %scan3A_18 = %scan3A to %scan3A_5 step %scan3A_6  : i32 {
        %mul3A_19 = arith.constant 1 : i32
        %mul3A_20 = arith.muli %scan3A_18, %mul3A_19 : i32
        %add3A_21 = arith.constant 0 : i32
        %add3A_22 = arith.addi %add3A_21, %mul3A_20 : i32
        %mul3A_23 = arith.constant 16 : i32
        %mul3A_24 = arith.muli %add3A_22, %mul3A_23 : i32
        %swap3A = arith.index_cast %mul3A_24 : i32 to index
        %swap3A_25 = tpu.vector_load %arg9[%swap3A] {strides = array<i32>} : memref<16384xf32, #tpu.memory_space<vmem>>, vector<16xf32>,
        tpu.vector_store %arg9[%swap3A], %broadcast_in_dim3A_3 {strides = array<i32>} : memref<16384xf32, #tpu.memory_space<vmem>>, vector<16xf32>,
      }
      %scan3A_7 = arith.constant 1024 : i32
      %iota3A = tpu.iota {dimensions = array<i32: 0>} : vector<16xi32>
      %eq3A = arith.constant 0 : i32
      %eq3A_8 = vector.broadcast %eq3A : i32 to vector<16xi32>
      %eq3A_9 = arith.cmpi eq, %iota3A, %eq3A_8 : vector<16xi32>
      %scan3A_10 = arith.constant 2147483647 : i32
      %scan3A_11 = arith.constant 0 : i32
      %scan3A_12 = arith.constant 0 : i32
      %scan3A_13 = arith.constant 1024 : i32
      %scan3A_14 = arith.addi %scan3A_12, %scan3A_13 : i32
      %scan3A_15 = arith.constant 1 : i32
      %scan3A_16 = scf.for %scan3A_18 = %scan3A_12 to %scan3A_14 step %scan3A_15 iter_args(%scan3A_19 = %scan3A_11) -> (i32)  : i32 {
        %broadcast_in_dim3A_20 = vector.broadcast %scan3A_19 : i32 to vector<16xi32>
        %gather3A = tpu.vector_load_idx %arg6[%broadcast_in_dim3A_20] : memref<16384xf32, #tpu.memory_space<vmem>>[vector<16xi32>], vector<16xf32>,
        %gather3A_21 = tpu.vector_load_idx %arg7[%broadcast_in_dim3A_20] : memref<16384xf32, #tpu.memory_space<vmem>>[vector<16xi32>], vector<16xf32>,
        %gather3A_22 = tpu.vector_load_idx %arg8[%broadcast_in_dim3A_20] : memref<16384xf32, #tpu.memory_space<vmem>>[vector<16xi32>], vector<16xf32>,
        %mul3A_23 = arith.constant 3 : i32
        %mul3A_24 = arith.muli %mul3A_23, %scan3A_18 : i32
        %broadcast_in_dim3A_25 = vector.broadcast %mul3A_24 : i32 to vector<16xi32>
        tpu.vector_store_idx %arg10[%broadcast_in_dim3A_25], %gather3A masked %eq3A_9 : memref<3072xf32, #tpu.memory_space<vmem>>[vector<16xi32>], vector<16xf32>, vector<16xi1>
        %add3A_26 = arith.constant 1 : i32
        %add3A_27 = vector.broadcast %add3A_26 : i32 to vector<16xi32>
        %add3A_28 = arith.addi %broadcast_in_dim3A_25, %add3A_27 : vector<16xi32>
        tpu.vector_store_idx %arg10[%add3A_28], %gather3A_21 masked %eq3A_9 : memref<3072xf32, #tpu.memory_space<vmem>>[vector<16xi32>], vector<16xf32>, vector<16xi1>
        %add3A_29 = arith.constant 2 : i32
        %add3A_30 = vector.broadcast %add3A_29 : i32 to vector<16xi32>
        %add3A_31 = arith.addi %broadcast_in_dim3A_25, %add3A_30 : vector<16xi32>
        tpu.vector_store_idx %arg10[%add3A_31], %gather3A_22 masked %eq3A_9 : memref<3072xf32, #tpu.memory_space<vmem>>[vector<16xi32>], vector<16xf32>, vector<16xi1>
        %broadcast_in_dim3A_32 = arith.constant -1.000000e+00 : f32
        %broadcast_in_dim3A_33 = vector.broadcast %broadcast_in_dim3A_32 : f32 to vector<16xf32>
        %broadcast_in_dim3A_34 = arith.constant 0 : i32
        %broadcast_in_dim3A_35 = vector.broadcast %broadcast_in_dim3A_34 : i32 to vector<16xi32>
        %scan3A_36 = arith.constant 0 : i32
        %scan3A_37 = arith.constant 128 : i32
        %scan3A_38 = arith.addi %scan3A_36, %scan3A_37 : i32
        %scan3A_39 = arith.constant 1 : i32
        %scan3A_40:2 = scf.for %scan3A_59 = %scan3A_36 to %scan3A_38 step %scan3A_39 iter_args(%scan3A_60 = %broadcast_in_dim3A_33, %scan3A_61 = %broadcast_in_dim3A_35) -> (vector<16xf32>, vector<16xi32>)  : i32 {
          %mul3A_62 = arith.constant 8 : i32
          %mul3A_63 = arith.muli %scan3A_59, %mul3A_62 : i32
          %add3A_64 = arith.constant 0 : i32
          %add3A_65 = arith.addi %mul3A_63, %add3A_64 : i32
          %mul3A_66 = arith.constant 16 : i32
          %mul3A_67 = arith.muli %add3A_65, %mul3A_66 : i32
          %get3A = arith.index_cast %mul3A_67 : i32 to index
          %get3A_68 = tpu.vector_load %arg6[%get3A] {strides = array<i32>} : memref<16384xf32, #tpu.memory_space<vmem>>, vector<16xf32>,
          %sub3A = arith.subf %get3A_68, %gather3A : vector<16xf32>
          %get3A_69 = arith.index_cast %mul3A_67 : i32 to index
          %get3A_70 = tpu.vector_load %arg7[%get3A_69] {strides = array<i32>} : memref<16384xf32, #tpu.memory_space<vmem>>, vector<16xf32>,
          %sub3A_71 = arith.subf %get3A_70, %gather3A_21 : vector<16xf32>
          %get3A_72 = arith.index_cast %mul3A_67 : i32 to index
          %get3A_73 = tpu.vector_load %arg8[%get3A_72] {strides = array<i32>} : memref<16384xf32, #tpu.memory_space<vmem>>, vector<16xf32>,
          %sub3A_74 = arith.subf %get3A_73, %gather3A_22 : vector<16xf32>
          %mul3A_75 = arith.mulf %sub3A, %sub3A : vector<16xf32>
          %mul3A_76 = arith.mulf %sub3A_71, %sub3A_71 : vector<16xf32>
          %add3A_77 = arith.addf %mul3A_75, %mul3A_76 : vector<16xf32>
          %mul3A_78 = arith.mulf %sub3A_74, %sub3A_74 : vector<16xf32>
          %add3A_79 = arith.addf %add3A_77, %mul3A_78 : vector<16xf32>
          %get3A_80 = arith.index_cast %mul3A_67 : i32 to index
          %get3A_81 = tpu.vector_load %arg9[%get3A_80] {strides = array<i32>} : memref<16384xf32, #tpu.memory_space<vmem>>, vector<16xf32>,
          %min3A = arith.minimumf %get3A_81, %add3A_79 : vector<16xf32>
          %swap3A = arith.index_cast %mul3A_67 : i32 to index
          %swap3A_82 = tpu.vector_load %arg9[%swap3A] {strides = array<i32>} : memref<16384xf32, #tpu.memory_space<vmem>>, vector<16xf32>,
          tpu.vector_store %arg9[%swap3A], %min3A {strides = array<i32>} : memref<16384xf32, #tpu.memory_space<vmem>>, vector<16xf32>,
          %add3A_83 = arith.constant 0 : i32
          %add3A_84 = arith.addi %mul3A_63, %add3A_83 : i32
          %broadcast_in_dim3A_85 = vector.broadcast %add3A_84 : i32 to vector<16xi32>
          %add3A_86 = arith.constant 1 : i32
          %add3A_87 = arith.addi %mul3A_63, %add3A_86 : i32
          %mul3A_88 = arith.constant 16 : i32
          %mul3A_89 = arith.muli %add3A_87, %mul3A_88 : i32
          %get3A_90 = arith.index_cast %mul3A_89 : i32 to index
          %get3A_91 = tpu.vector_load %arg6[%get3A_90] {strides = array<i32>} : memref<16384xf32, #tpu.memory_space<vmem>>, vector<16xf32>,
          %sub3A_92 = arith.subf %get3A_91, %gather3A : vector<16xf32>
          %get3A_93 = arith.index_cast %mul3A_89 : i32 to index
          %get3A_94 = tpu.vector_load %arg7[%get3A_93] {strides = array<i32>} : memref<16384xf32, #tpu.memory_space<vmem>>, vector<16xf32>,
          %sub3A_95 = arith.subf %get3A_94, %gather3A_21 : vector<16xf32>
          %get3A_96 = arith.index_cast %mul3A_89 : i32 to index
          %get3A_97 = tpu.vector_load %arg8[%get3A_96] {strides = array<i32>} : memref<16384xf32, #tpu.memory_space<vmem>>, vector<16xf32>,
          %sub3A_98 = arith.subf %get3A_97, %gather3A_22 : vector<16xf32>
          %mul3A_99 = arith.mulf %sub3A_92, %sub3A_92 : vector<16xf32>
          %mul3A_100 = arith.mulf %sub3A_95, %sub3A_95 : vector<16xf32>
          %add3A_101 = arith.addf %mul3A_99, %mul3A_100 : vector<16xf32>
          %mul3A_102 = arith.mulf %sub3A_98, %sub3A_98 : vector<16xf32>
          %add3A_103 = arith.addf %add3A_101, %mul3A_102 : vector<16xf32>
          %get3A_104 = arith.index_cast %mul3A_89 : i32 to index
          %get3A_105 = tpu.vector_load %arg9[%get3A_104] {strides = array<i32>} : memref<16384xf32, #tpu.memory_space<vmem>>, vector<16xf32>,
          %min3A_106 = arith.minimumf %get3A_105, %add3A_103 : vector<16xf32>
          %swap3A_107 = arith.index_cast %mul3A_89 : i32 to index
          %swap3A_108 = tpu.vector_load %arg9[%swap3A_107] {strides = array<i32>} : memref<16384xf32, #tpu.memory_space<vmem>>, vector<16xf32>,
          tpu.vector_store %arg9[%swap3A_107], %min3A_106 {strides = array<i32>} : memref<16384xf32, #tpu.memory_space<vmem>>, vector<16xf32>,
          %add3A_109 = arith.constant 1 : i32
          %add3A_110 = arith.addi %mul3A_63, %add3A_109 : i32
          %broadcast_in_dim3A_111 = vector.broadcast %add3A_110 : i32 to vector<16xi32>
          %add3A_112 = arith.constant 2 : i32
          %add3A_113 = arith.addi %mul3A_63, %add3A_112 : i32
          %mul3A_114 = arith.constant 16 : i32
          %mul3A_115 = arith.muli %add3A_113, %mul3A_114 : i32
          %get3A_116 = arith.index_cast %mul3A_115 : i32 to index
          %get3A_117 = tpu.vector_load %arg6[%get3A_116] {strides = array<i32>} : memref<16384xf32, #tpu.memory_space<vmem>>, vector<16xf32>,
          %sub3A_118 = arith.subf %get3A_117, %gather3A : vector<16xf32>
          %get3A_119 = arith.index_cast %mul3A_115 : i32 to index
          %get3A_120 = tpu.vector_load %arg7[%get3A_119] {strides = array<i32>} : memref<16384xf32, #tpu.memory_space<vmem>>, vector<16xf32>,
          %sub3A_121 = arith.subf %get3A_120, %gather3A_21 : vector<16xf32>
          %get3A_122 = arith.index_cast %mul3A_115 : i32 to index
          %get3A_123 = tpu.vector_load %arg8[%get3A_122] {strides = array<i32>} : memref<16384xf32, #tpu.memory_space<vmem>>, vector<16xf32>,
          %sub3A_124 = arith.subf %get3A_123, %gather3A_22 : vector<16xf32>
          %mul3A_125 = arith.mulf %sub3A_118, %sub3A_118 : vector<16xf32>
          %mul3A_126 = arith.mulf %sub3A_121, %sub3A_121 : vector<16xf32>
          %add3A_127 = arith.addf %mul3A_125, %mul3A_126 : vector<16xf32>
          %mul3A_128 = arith.mulf %sub3A_124, %sub3A_124 : vector<16xf32>
          %add3A_129 = arith.addf %add3A_127, %mul3A_128 : vector<16xf32>
          %get3A_130 = arith.index_cast %mul3A_115 : i32 to index
          %get3A_131 = tpu.vector_load %arg9[%get3A_130] {strides = array<i32>} : memref<16384xf32, #tpu.memory_space<vmem>>, vector<16xf32>,
          %min3A_132 = arith.minimumf %get3A_131, %add3A_129 : vector<16xf32>
          %swap3A_133 = arith.index_cast %mul3A_115 : i32 to index
          %swap3A_134 = tpu.vector_load %arg9[%swap3A_133] {strides = array<i32>} : memref<16384xf32, #tpu.memory_space<vmem>>, vector<16xf32>,
          tpu.vector_store %arg9[%swap3A_133], %min3A_132 {strides = array<i32>} : memref<16384xf32, #tpu.memory_space<vmem>>, vector<16xf32>,
          %add3A_135 = arith.constant 2 : i32
          %add3A_136 = arith.addi %mul3A_63, %add3A_135 : i32
          %broadcast_in_dim3A_137 = vector.broadcast %add3A_136 : i32 to vector<16xi32>
          %add3A_138 = arith.constant 3 : i32
          %add3A_139 = arith.addi %mul3A_63, %add3A_138 : i32
          %mul3A_140 = arith.constant 16 : i32
          %mul3A_141 = arith.muli %add3A_139, %mul3A_140 : i32
          %get3A_142 = arith.index_cast %mul3A_141 : i32 to index
          %get3A_143 = tpu.vector_load %arg6[%get3A_142] {strides = array<i32>} : memref<16384xf32, #tpu.memory_space<vmem>>, vector<16xf32>,
          %sub3A_144 = arith.subf %get3A_143, %gather3A : vector<16xf32>
          %get3A_145 = arith.index_cast %mul3A_141 : i32 to index
          %get3A_146 = tpu.vector_load %arg7[%get3A_145] {strides = array<i32>} : memref<16384xf32, #tpu.memory_space<vmem>>, vector<16xf32>,
          %sub3A_147 = arith.subf %get3A_146, %gather3A_21 : vector<16xf32>
          %get3A_148 = arith.index_cast %mul3A_141 : i32 to index
          %get3A_149 = tpu.vector_load %arg8[%get3A_148] {strides = array<i32>} : memref<16384xf32, #tpu.memory_space<vmem>>, vector<16xf32>,
          %sub3A_150 = arith.subf %get3A_149, %gather3A_22 : vector<16xf32>
          %mul3A_151 = arith.mulf %sub3A_144, %sub3A_144 : vector<16xf32>
          %mul3A_152 = arith.mulf %sub3A_147, %sub3A_147 : vector<16xf32>
          %add3A_153 = arith.addf %mul3A_151, %mul3A_152 : vector<16xf32>
          %mul3A_154 = arith.mulf %sub3A_150, %sub3A_150 : vector<16xf32>
          %add3A_155 = arith.addf %add3A_153, %mul3A_154 : vector<16xf32>
          %get3A_156 = arith.index_cast %mul3A_141 : i32 to index
          %get3A_157 = tpu.vector_load %arg9[%get3A_156] {strides = array<i32>} : memref<16384xf32, #tpu.memory_space<vmem>>, vector<16xf32>,
          %min3A_158 = arith.minimumf %get3A_157, %add3A_155 : vector<16xf32>
          %swap3A_159 = arith.index_cast %mul3A_141 : i32 to index
          %swap3A_160 = tpu.vector_load %arg9[%swap3A_159] {strides = array<i32>} : memref<16384xf32, #tpu.memory_space<vmem>>, vector<16xf32>,
          tpu.vector_store %arg9[%swap3A_159], %min3A_158 {strides = array<i32>} : memref<16384xf32, #tpu.memory_space<vmem>>, vector<16xf32>,
          %add3A_161 = arith.constant 3 : i32
          %add3A_162 = arith.addi %mul3A_63, %add3A_161 : i32
          %broadcast_in_dim3A_163 = vector.broadcast %add3A_162 : i32 to vector<16xi32>
          %add3A_164 = arith.constant 4 : i32
          %add3A_165 = arith.addi %mul3A_63, %add3A_164 : i32
          %mul3A_166 = arith.constant 16 : i32
          %mul3A_167 = arith.muli %add3A_165, %mul3A_166 : i32
          %get3A_168 = arith.index_cast %mul3A_167 : i32 to index
          %get3A_169 = tpu.vector_load %arg6[%get3A_168] {strides = array<i32>} : memref<16384xf32, #tpu.memory_space<vmem>>, vector<16xf32>,
          %sub3A_170 = arith.subf %get3A_169, %gather3A : vector<16xf32>
          %get3A_171 = arith.index_cast %mul3A_167 : i32 to index
          %get3A_172 = tpu.vector_load %arg7[%get3A_171] {strides = array<i32>} : memref<16384xf32, #tpu.memory_space<vmem>>, vector<16xf32>,
          %sub3A_173 = arith.subf %get3A_172, %gather3A_21 : vector<16xf32>
          %get3A_174 = arith.index_cast %mul3A_167 : i32 to index
          %get3A_175 = tpu.vector_load %arg8[%get3A_174] {strides = array<i32>} : memref<16384xf32, #tpu.memory_space<vmem>>, vector<16xf32>,
          %sub3A_176 = arith.subf %get3A_175, %gather3A_22 : vector<16xf32>
          %mul3A_177 = arith.mulf %sub3A_170, %sub3A_170 : vector<16xf32>
          %mul3A_178 = arith.mulf %sub3A_173, %sub3A_173 : vector<16xf32>
          %add3A_179 = arith.addf %mul3A_177, %mul3A_178 : vector<16xf32>
          %mul3A_180 = arith.mulf %sub3A_176, %sub3A_176 : vector<16xf32>
          %add3A_181 = arith.addf %add3A_179, %mul3A_180 : vector<16xf32>
          %get3A_182 = arith.index_cast %mul3A_167 : i32 to index
          %get3A_183 = tpu.vector_load %arg9[%get3A_182] {strides = array<i32>} : memref<16384xf32, #tpu.memory_space<vmem>>, vector<16xf32>,
          %min3A_184 = arith.minimumf %get3A_183, %add3A_181 : vector<16xf32>
          %swap3A_185 = arith.index_cast %mul3A_167 : i32 to index
          %swap3A_186 = tpu.vector_load %arg9[%swap3A_185] {strides = array<i32>} : memref<16384xf32, #tpu.memory_space<vmem>>, vector<16xf32>,
          tpu.vector_store %arg9[%swap3A_185], %min3A_184 {strides = array<i32>} : memref<16384xf32, #tpu.memory_space<vmem>>, vector<16xf32>,
          %add3A_187 = arith.constant 4 : i32
          %add3A_188 = arith.addi %mul3A_63, %add3A_187 : i32
          %broadcast_in_dim3A_189 = vector.broadcast %add3A_188 : i32 to vector<16xi32>
          %add3A_190 = arith.constant 5 : i32
          %add3A_191 = arith.addi %mul3A_63, %add3A_190 : i32
          %mul3A_192 = arith.constant 16 : i32
          %mul3A_193 = arith.muli %add3A_191, %mul3A_192 : i32
          %get3A_194 = arith.index_cast %mul3A_193 : i32 to index
          %get3A_195 = tpu.vector_load %arg6[%get3A_194] {strides = array<i32>} : memref<16384xf32, #tpu.memory_space<vmem>>, vector<16xf32>,
          %sub3A_196 = arith.subf %get3A_195, %gather3A : vector<16xf32>
          %get3A_197 = arith.index_cast %mul3A_193 : i32 to index
          %get3A_198 = tpu.vector_load %arg7[%get3A_197] {strides = array<i32>} : memref<16384xf32, #tpu.memory_space<vmem>>, vector<16xf32>,
          %sub3A_199 = arith.subf %get3A_198, %gather3A_21 : vector<16xf32>
          %get3A_200 = arith.index_cast %mul3A_193 : i32 to index
          %get3A_201 = tpu.vector_load %arg8[%get3A_200] {strides = array<i32>} : memref<16384xf32, #tpu.memory_space<vmem>>, vector<16xf32>,
          %sub3A_202 = arith.subf %get3A_201, %gather3A_22 : vector<16xf32>
          %mul3A_203 = arith.mulf %sub3A_196, %sub3A_196 : vector<16xf32>
          %mul3A_204 = arith.mulf %sub3A_199, %sub3A_199 : vector<16xf32>
          %add3A_205 = arith.addf %mul3A_203, %mul3A_204 : vector<16xf32>
          %mul3A_206 = arith.mulf %sub3A_202, %sub3A_202 : vector<16xf32>
          %add3A_207 = arith.addf %add3A_205, %mul3A_206 : vector<16xf32>
          %get3A_208 = arith.index_cast %mul3A_193 : i32 to index
          %get3A_209 = tpu.vector_load %arg9[%get3A_208] {strides = array<i32>} : memref<16384xf32, #tpu.memory_space<vmem>>, vector<16xf32>,
          %min3A_210 = arith.minimumf %get3A_209, %add3A_207 : vector<16xf32>
          %swap3A_211 = arith.index_cast %mul3A_193 : i32 to index
          %swap3A_212 = tpu.vector_load %arg9[%swap3A_211] {strides = array<i32>} : memref<16384xf32, #tpu.memory_space<vmem>>, vector<16xf32>,
          tpu.vector_store %arg9[%swap3A_211], %min3A_210 {strides = array<i32>} : memref<16384xf32, #tpu.memory_space<vmem>>, vector<16xf32>,
          %add3A_213 = arith.constant 5 : i32
          %add3A_214 = arith.addi %mul3A_63, %add3A_213 : i32
          %broadcast_in_dim3A_215 = vector.broadcast %add3A_214 : i32 to vector<16xi32>
          %add3A_216 = arith.constant 6 : i32
          %add3A_217 = arith.addi %mul3A_63, %add3A_216 : i32
          %mul3A_218 = arith.constant 16 : i32
          %mul3A_219 = arith.muli %add3A_217, %mul3A_218 : i32
          %get3A_220 = arith.index_cast %mul3A_219 : i32 to index
          %get3A_221 = tpu.vector_load %arg6[%get3A_220] {strides = array<i32>} : memref<16384xf32, #tpu.memory_space<vmem>>, vector<16xf32>,
          %sub3A_222 = arith.subf %get3A_221, %gather3A : vector<16xf32>
          %get3A_223 = arith.index_cast %mul3A_219 : i32 to index
          %get3A_224 = tpu.vector_load %arg7[%get3A_223] {strides = array<i32>} : memref<16384xf32, #tpu.memory_space<vmem>>, vector<16xf32>,
          %sub3A_225 = arith.subf %get3A_224, %gather3A_21 : vector<16xf32>
          %get3A_226 = arith.index_cast %mul3A_219 : i32 to index
          %get3A_227 = tpu.vector_load %arg8[%get3A_226] {strides = array<i32>} : memref<16384xf32, #tpu.memory_space<vmem>>, vector<16xf32>,
          %sub3A_228 = arith.subf %get3A_227, %gather3A_22 : vector<16xf32>
          %mul3A_229 = arith.mulf %sub3A_222, %sub3A_222 : vector<16xf32>
          %mul3A_230 = arith.mulf %sub3A_225, %sub3A_225 : vector<16xf32>
          %add3A_231 = arith.addf %mul3A_229, %mul3A_230 : vector<16xf32>
          %mul3A_232 = arith.mulf %sub3A_228, %sub3A_228 : vector<16xf32>
          %add3A_233 = arith.addf %add3A_231, %mul3A_232 : vector<16xf32>
          %get3A_234 = arith.index_cast %mul3A_219 : i32 to index
          %get3A_235 = tpu.vector_load %arg9[%get3A_234] {strides = array<i32>} : memref<16384xf32, #tpu.memory_space<vmem>>, vector<16xf32>,
          %min3A_236 = arith.minimumf %get3A_235, %add3A_233 : vector<16xf32>
          %swap3A_237 = arith.index_cast %mul3A_219 : i32 to index
          %swap3A_238 = tpu.vector_load %arg9[%swap3A_237] {strides = array<i32>} : memref<16384xf32, #tpu.memory_space<vmem>>, vector<16xf32>,
          tpu.vector_store %arg9[%swap3A_237], %min3A_236 {strides = array<i32>} : memref<16384xf32, #tpu.memory_space<vmem>>, vector<16xf32>,
          %add3A_239 = arith.constant 6 : i32
          %add3A_240 = arith.addi %mul3A_63, %add3A_239 : i32
          %broadcast_in_dim3A_241 = vector.broadcast %add3A_240 : i32 to vector<16xi32>
          %add3A_242 = arith.constant 7 : i32
          %add3A_243 = arith.addi %mul3A_63, %add3A_242 : i32
          %mul3A_244 = arith.constant 16 : i32
          %mul3A_245 = arith.muli %add3A_243, %mul3A_244 : i32
          %get3A_246 = arith.index_cast %mul3A_245 : i32 to index
          %get3A_247 = tpu.vector_load %arg6[%get3A_246] {strides = array<i32>} : memref<16384xf32, #tpu.memory_space<vmem>>, vector<16xf32>,
          %sub3A_248 = arith.subf %get3A_247, %gather3A : vector<16xf32>
          %get3A_249 = arith.index_cast %mul3A_245 : i32 to index
          %get3A_250 = tpu.vector_load %arg7[%get3A_249] {strides = array<i32>} : memref<16384xf32, #tpu.memory_space<vmem>>, vector<16xf32>,
          %sub3A_251 = arith.subf %get3A_250, %gather3A_21 : vector<16xf32>
          %get3A_252 = arith.index_cast %mul3A_245 : i32 to index
          %get3A_253 = tpu.vector_load %arg8[%get3A_252] {strides = array<i32>} : memref<16384xf32, #tpu.memory_space<vmem>>, vector<16xf32>,
          %sub3A_254 = arith.subf %get3A_253, %gather3A_22 : vector<16xf32>
          %mul3A_255 = arith.mulf %sub3A_248, %sub3A_248 : vector<16xf32>
          %mul3A_256 = arith.mulf %sub3A_251, %sub3A_251 : vector<16xf32>
          %add3A_257 = arith.addf %mul3A_255, %mul3A_256 : vector<16xf32>
          %mul3A_258 = arith.mulf %sub3A_254, %sub3A_254 : vector<16xf32>
          %add3A_259 = arith.addf %add3A_257, %mul3A_258 : vector<16xf32>
          %get3A_260 = arith.index_cast %mul3A_245 : i32 to index
          %get3A_261 = tpu.vector_load %arg9[%get3A_260] {strides = array<i32>} : memref<16384xf32, #tpu.memory_space<vmem>>, vector<16xf32>,
          %min3A_262 = arith.minimumf %get3A_261, %add3A_259 : vector<16xf32>
          %swap3A_263 = arith.index_cast %mul3A_245 : i32 to index
          %swap3A_264 = tpu.vector_load %arg9[%swap3A_263] {strides = array<i32>} : memref<16384xf32, #tpu.memory_space<vmem>>, vector<16xf32>,
          tpu.vector_store %arg9[%swap3A_263], %min3A_262 {strides = array<i32>} : memref<16384xf32, #tpu.memory_space<vmem>>, vector<16xf32>,
          %add3A_265 = arith.constant 7 : i32
          %add3A_266 = arith.addi %mul3A_63, %add3A_265 : i32
          %broadcast_in_dim3A_267 = vector.broadcast %add3A_266 : i32 to vector<16xi32>
          %gt3A = arith.cmpf ogt, %min3A_106, %min3A : vector<16xf32>
          %max3A = arith.maximumf %min3A, %min3A_106 : vector<16xf32>
          %select_n3A_268 = arith.select %gt3A, %broadcast_in_dim3A_111, %broadcast_in_dim3A_85 : vector<16xi1>, vector<16xi32>
          %gt3A_269 = arith.cmpf ogt, %min3A_158, %min3A_132 : vector<16xf32>
          %max3A_270 = arith.maximumf %min3A_132, %min3A_158 : vector<16xf32>
          %select_n3A_271 = arith.select %gt3A_269, %broadcast_in_dim3A_163, %broadcast_in_dim3A_137 : vector<16xi1>, vector<16xi32>
          %gt3A_272 = arith.cmpf ogt, %min3A_210, %min3A_184 : vector<16xf32>
          %max3A_273 = arith.maximumf %min3A_184, %min3A_210 : vector<16xf32>
          %select_n3A_274 = arith.select %gt3A_272, %broadcast_in_dim3A_215, %broadcast_in_dim3A_189 : vector<16xi1>, vector<16xi32>
          %gt3A_275 = arith.cmpf ogt, %min3A_262, %min3A_236 : vector<16xf32>
          %max3A_276 = arith.maximumf %min3A_236, %min3A_262 : vector<16xf32>
          %select_n3A_277 = arith.select %gt3A_275, %broadcast_in_dim3A_267, %broadcast_in_dim3A_241 : vector<16xi1>, vector<16xi32>
          %gt3A_278 = arith.cmpf ogt, %max3A_270, %max3A : vector<16xf32>
          %max3A_279 = arith.maximumf %max3A, %max3A_270 : vector<16xf32>
          %select_n3A_280 = arith.select %gt3A_278, %select_n3A_271, %select_n3A_268 : vector<16xi1>, vector<16xi32>
          %gt3A_281 = arith.cmpf ogt, %max3A_276, %max3A_273 : vector<16xf32>
          %max3A_282 = arith.maximumf %max3A_273, %max3A_276 : vector<16xf32>
          %select_n3A_283 = arith.select %gt3A_281, %select_n3A_277, %select_n3A_274 : vector<16xi1>, vector<16xi32>
          %gt3A_284 = arith.cmpf ogt, %max3A_282, %max3A_279 : vector<16xf32>
          %max3A_285 = arith.maximumf %max3A_279, %max3A_282 : vector<16xf32>
          %select_n3A_286 = arith.select %gt3A_284, %select_n3A_283, %select_n3A_280 : vector<16xi1>, vector<16xi32>
          %gt3A_287 = arith.cmpf ogt, %max3A_285, %scan3A_60 : vector<16xf32>
          %max3A_288 = arith.maximumf %scan3A_60, %max3A_285 : vector<16xf32>
          %select_n3A_289 = arith.select %gt3A_287, %select_n3A_286, %scan3A_61 : vector<16xi1>, vector<16xi32>
          scf.yield %max3A_288, %select_n3A_289 : vector<16xf32>, vector<16xi32>
        }
        %scan3A_41 = arith.constant 128 : i32
        %mul3A_42 = arith.constant 16 : i32
        %mul3A_43 = vector.broadcast %mul3A_42 : i32 to vector<16xi32>
        %mul3A_44 = arith.muli %scan3A_40#1, %mul3A_43 : vector<16xi32>
        %add3A_45 = arith.addi %mul3A_44, %iota3A : vector<16xi32>
        %reduce_max3A = arith.constant true
        %reduce_max3A_46 = vector.broadcast %reduce_max3A : i1 to vector<16xi1>
        %reduce_max3A_47 = tpu.scan <max>, %scan3A_40#0 masked %reduce_max3A_46 : vector<16xf32>, vector<16xi1> -> vector<16xf32>
        %reduce_max3A_48 = vector.extract %reduce_max3A_47[15] : f32 from vector<16xf32>
        %eq3A_49 = vector.broadcast %reduce_max3A_48 : f32 to vector<16xf32>
        %eq3A_50 = arith.cmpf oeq, %scan3A_40#0, %eq3A_49 : vector<16xf32>
        %broadcast_in_dim3A_51 = vector.broadcast %scan3A_10 : i32 to vector<16xi32>
        %select_n3A = arith.select %eq3A_50, %add3A_45, %broadcast_in_dim3A_51 : vector<16xi1>, vector<16xi32>
        %reduce_min3A = arith.constant true
        %reduce_min3A_52 = vector.broadcast %reduce_min3A : i1 to vector<16xi1>
        %reduce_min3A_53 = arith.constant -2147483648 : i32
        %reduce_min3A_54 = vector.broadcast %reduce_min3A_53 : i32 to vector<16xi32>
        %reduce_min3A_55 = arith.xori %select_n3A, %reduce_min3A_54 : vector<16xi32>
        %reduce_min3A_56 = tpu.scan <min>, %reduce_min3A_55 masked %reduce_min3A_52 : vector<16xi32>, vector<16xi1> -> vector<16xi32>
        %reduce_min3A_57 = arith.xori %reduce_min3A_56, %reduce_min3A_54 : vector<16xi32>
        %reduce_min3A_58 = vector.extract %reduce_min3A_57[15] : i32 from vector<16xi32>
        scf.yield %reduce_min3A_58 : i32
      }
      %scan3A_17 = arith.constant 1024 : i32
      "tpu.region"() ({
        %run_scoped3A = tpu.sem_alloc : memref<!tpu.dma_semaphore, #tpu.memory_space<semaphore_mem>>
        %dma_start3A = arith.constant 0 : i32
        %dma_start3A_18 = tpu.memref_slice %arg5[%add3A, %dma_start3A] : memref<16x3072xf32, #tpu.memory_space<hbm>> -> memref<1x3072xf32, #tpu.memory_space<hbm>>
        %dma_start3A_19 = tpu.memref_squeeze %dma_start3A_18 : memref<1x3072xf32, #tpu.memory_space<hbm>> -> memref<3072xf32, #tpu.memory_space<hbm>>
        %dma_start3A_20 = arith.constant 0 : i32
        %dma_start3A_21 = tpu.memref_slice %arg5[%add3A, %dma_start3A_20] : memref<16x3072xf32, #tpu.memory_space<hbm>> -> memref<1x3072xf32, #tpu.memory_space<hbm>>
        %dma_start3A_22 = tpu.memref_squeeze %dma_start3A_21 : memref<1x3072xf32, #tpu.memory_space<hbm>> -> memref<3072xf32, #tpu.memory_space<hbm>>
        tpu.enqueue_dma source(%arg10 : memref<3072xf32, #tpu.memory_space<vmem>>) target(%dma_start3A_22 : memref<3072xf32, #tpu.memory_space<hbm>>) target_semaphore(%run_scoped3A : memref<!tpu.dma_semaphore, #tpu.memory_space<semaphore_mem>>)
        %dma_wait3A = arith.constant 0 : i32
        %dma_wait3A_23 = tpu.memref_slice %arg5[%add3A, %dma_wait3A] : memref<16x3072xf32, #tpu.memory_space<hbm>> -> memref<1x3072xf32, #tpu.memory_space<hbm>>
        %dma_wait3A_24 = tpu.memref_squeeze %dma_wait3A_23 : memref<1x3072xf32, #tpu.memory_space<hbm>> -> memref<3072xf32, #tpu.memory_space<hbm>>
        %dma_wait3A_25 = arith.constant 0 : i32
        %dma_wait3A_26 = tpu.memref_slice %arg5[%add3A, %dma_wait3A_25] : memref<16x3072xf32, #tpu.memory_space<hbm>> -> memref<1x3072xf32, #tpu.memory_space<hbm>>
        %dma_wait3A_27 = tpu.memref_squeeze %dma_wait3A_26 : memref<1x3072xf32, #tpu.memory_space<hbm>> -> memref<3072xf32, #tpu.memory_space<hbm>>
        tpu.wait_dma2 semaphore(%run_scoped3A : memref<!tpu.dma_semaphore, #tpu.memory_space<semaphore_mem>>) src(%arg10 : memref<3072xf32, #tpu.memory_space<vmem>>) dst(%dma_wait3A_27 : memref<3072xf32, #tpu.memory_space<hbm>>)
        tpu.yield
      }) : () -> ()
    } else {
    }
    return
  }
}

</mosaic_0001>

<sc_bundles>
// kernel: kernel.3.cloned.1.call-start
scs
__scs_entry_jumppad:
0x0: {  	(pc) =	sbr.rel $0x88, $3  }
0x1: {  	(tag) =	ssettag $0x0;
	lr =	simm.s32 $0x1  }
0x2: {  	[smem:$0x3FA0] =	sst lr;
	_ =	strace $0xD0000000  }
0x3: {  	_ = 	snop  }
0x4: {  	_ = 	snop  }
0x5: {  	_ = 	snop  }
0x6: {  	_ = 	snop  }
0x7: {  	_ = 	snop  }
__scs_overlays_trampoline_lowered:
0x8: {  	[smem:$0x3FAF] =	sst s0  }
0x9: {  	[smem:$0x3FB0] =	sst s1  }
0xa: {  	[smem:$0x3FB1] =	sst s2  }
0xb: {  	[smem:$0x3FB2] =	sst s3  }
0xc: {  	[smem:$0x3FB3] =	sst s4  }
0xd: {  	[smem:$0x3FB4] =	sst s5  }
0xe: {  	[smem:$0x3FB5] =	sst s6  }
0xf: {  	[smem:$0x3FB6] =	sst s7  }
0x10: {  	[smem:$0x3FB7] =	sst s8  }
0x11: {  	[smem:$0x3FB8] =	sst s9;
	s0 =	simm.s32 @!p0 $0x0  }
0x12: {  	s1 =	sld [smem:$0x3F9E];
	s0 =	simm.s32 @p0 $0x1  }
0x13: {  	[smem:$0x3FB9] =	sst s0;
	s0 =	simm.s32 @!p1 $0x0  }
0x14: {  	s2 =	sld [smem:$0x3F9D];
	s0 =	simm.s32 @p1 $0x1  }
0x15: {  	[smem:$0x3FBA] =	sst s0;
	s0 =	simm.s32 @!p2 $0x0  }
0x16: {  	s3 =	sld [smem:$0x3FDB];
	s0 =	simm.s32 @p2 $0x1  }
0x17: {  	s4 =	simm.s32 $0x1BF5;
	[smem:$0x3FBC] =	sst s0  }
0x18: {  	s0 =	sld [smem:$0x3F9F];
	_ =	swait.ge [sflag:s4], $0x0  }
0x19: {  	s7 =	sld [smem:$0x3FA0]  }
0x1a: {  	s8 =	sadd.s32 $0xFFFFE003, lr  }
0x1b: {  	s9 =	sadd.s32 $0xFFFFFEF7, lr;
	s5 =	simm.s32 $0xFFFFFFFF;
	p2 =	slt.u32 s8, $0xFFFFF086  }
0x1c: {  	p1 =	slt.u32 s9, $0xF7A;
	s5 =	simm.s32 @!p2 $0x0  }
0x1d: {  	s5 =	simm.s32 @p1 $0x1;
	p0 =	seq.s32 s7, s2  }
0x1e: {  	s7 =	smul.u32 @!p0 $0xF7A, s2;
	p2 =	seq.s32 @!p0 s5, $0x0  }
0x1f: {  	s9 =	smul.u32 $0xF7A, s1;
	s8 =	simm.s32 @!p0 $0x1BF5;
	p2 =	por !p2, p0  }
0x20: {  	[sflag:s8] =	ssyncset.s32 @!p0 $0xFFFFF086;
	s6 =	sadd.s32 @!p0 s3, s7;
	s7 =	simm.s32 @!p0 $0x108  }
0x21: {  	s3 =	sadd.s32 s3, s9;
	s6 =	sadd.s32 @!p0 $0x88, s6;
	s7 =	simm.s32 @p2 $0x1082  }
0x22: {  	[simem:s7], [sflag:s8] =	dma.local @!p0 [hbm:s6], $0xF7A  }
0x23: {  	s9 =	sor.u32 $0xD0000000, s2;
	s6 =	simm.s32 $0x108;
	_ =	swait.ge @!p0 [sflag:s8], $0x0  }
0x24: {  	s3 =	sadd.s32 $0x88, s3;
	s6 =	simm.s32 @!p1 $0x1082;
	[sflag:s4] =	ssyncset.s32 $0xFFFFF086  }
0x25: {  	[simem:s6], [sflag:s4] =	dma.local [hbm:s3], $0xF7A  }
0x26: {  	[smem:$0x3FA0] =	sst s1;
	(tag) =	ssettag s2;
	_ =	strace s9  }
0x27: {  	s1 =	sld [smem:$0x3FB0]  }
0x28: {  	s2 =	sld [smem:$0x3FB1]  }
0x29: {  	s4 =	sld [smem:$0x3FB3]  }
0x2a: {  	p0 =	seq.s32 s5, $0x0;
	s5 =	sld [smem:$0x3FB4]  }
0x2b: {  	s6 =	sld [smem:$0x3FB5]  }
0x2c: {  	s7 =	sld [smem:$0x3FB6]  }
0x2d: {  	s3 =	simm.s32 $0x108;
	s8 =	sld [smem:$0x3FB7]  }
0x2e: {  	s3 =	simm.s32 @!p0 $0x1082;
	s9 =	sld [smem:$0x3FB8]  }
0x2f: {  	lr =	sadd.s32 s0, s3;
	s0 =	sld [smem:$0x3FAF]  }
0x30: {  	s3 =	sld [smem:$0x3FB2]  }
0x31: {  	[smem:$0x3FBB] =	sst s10  }
0x32: {  	s10 =	sld [smem:$0x3FB9];
	_ =	sdelay $0x3  }
0x33: {  	p0 =	seq.s32 s10, $0x1;
	s10 =	sld [smem:$0x3FBB];
	_ =	sdelay $0x3  }
0x34: {  	[smem:$0x3FBB] =	sst s10  }
0x35: {  	s10 =	sld [smem:$0x3FBA];
	_ =	sdelay $0x3  }
0x36: {  	p1 =	seq.s32 s10, $0x1;
	s10 =	sld [smem:$0x3FBB];
	_ =	sdelay $0x3  }
0x37: {  	[smem:$0x3FBB] =	sst s10  }
0x38: {  	s10 =	sld [smem:$0x3FBC]  }
0x39: {  	_ = 	snop;
	(pc) =	sbr.ind lr, $3  }
0x3a: {  	_ = 	snop  }
0x3b: {  	_ = 	snop  }
0x3c: {  	p2 =	seq.s32 s10, $0x1;
	s10 =	sld [smem:$0x3FBB]  }
0x3d: {  	_ =	shalt  }
0x3e: {  	_ =	shalt  }
0x3f: {  	_ =	shalt  }
0x40: {  	_ =	shalt  }
0x41: {  	_ =	shalt  }
0x42: {  	_ =	shalt  }
0x43: {  	_ =	shalt  }
0x44: {  	_ =	shalt  }
0x45: {  	_ =	shalt  }
0x46: {  	_ =	shalt  }
0x47: {  	_ =	shalt  }
0x48: {  	_ =	shalt  }
0x49: {  	_ =	shalt  }
0x4a: {  	_ =	shalt  }
0x4b: {  	_ =	shalt  }
0x4c: {  	_ =	shalt  }
0x4d: {  	_ =	shalt  }
0x4e: {  	_ =	shalt  }
0x4f: {  	_ =	shalt  }
0x50: {  	_ =	shalt  }
0x51: {  	_ =	shalt  }
0x52: {  	_ =	shalt  }
0x53: {  	_ =	shalt  }
0x54: {  	_ =	shalt  }
0x55: {  	_ =	shalt  }
0x56: {  	_ =	shalt  }
0x57: {  	_ =	shalt  }
0x58: {  	_ =	shalt  }
0x59: {  	_ =	shalt  }
0x5a: {  	_ =	shalt  }
0x5b: {  	_ =	shalt  }
0x5c: {  	_ =	shalt  }
0x5d: {  	_ =	shalt  }
0x5e: {  	_ =	shalt  }
0x5f: {  	_ =	shalt  }
0x60: {  	_ =	shalt  }
0x61: {  	_ =	shalt  }
0x62: {  	_ =	shalt  }
0x63: {  	_ =	shalt  }
0x64: {  	_ =	shalt  }
0x65: {  	_ =	shalt  }
0x66: {  	_ =	shalt  }
0x67: {  	_ =	shalt  }
0x68: {  	_ =	shalt  }
0x69: {  	_ =	shalt  }
0x6a: {  	_ =	shalt  }
0x6b: {  	_ =	shalt  }
0x6c: {  	_ =	shalt  }
0x6d: {  	_ =	shalt  }
0x6e: {  	_ =	shalt  }
0x6f: {  	_ =	shalt  }
0x70: {  	_ =	shalt  }
0x71: {  	_ =	shalt  }
0x72: {  	_ =	shalt  }
0x73: {  	_ =	shalt  }
0x74: {  	_ =	shalt  }
0x75: {  	_ =	shalt  }
0x76: {  	_ =	shalt  }
0x77: {  	_ =	shalt  }
0x78: {  	_ =	shalt  }
0x79: {  	_ =	shalt  }
0x7a: {  	_ =	shalt  }
0x7b: {  	_ =	shalt  }
0x7c: {  	_ =	shalt  }
0x7d: {  	_ =	shalt  }
0x7e: {  	_ =	shalt  }
0x7f: {  	_ =	shalt  }
0x80: {  	_ =	shalt  }
0x81: {  	_ =	shalt  }
0x82: {  	_ =	shalt  }
0x83: {  	_ =	shalt  }
0x84: {  	_ =	shalt  }
0x85: {  	_ =	shalt  }
0x86: {  	_ =	shalt  }
0x87: {  	_ =	shalt  }
.Lfunc_end0:
.L_simem_size_0:
called_computation_lowered:
.L_overlay_start_0:
0x88: {  	s2 =	sld [smem:$0x3FD9]  }
0x89: {  	s3 =	sld [smem:$0x3FFE];
	_ =	sdelay $0x1  }
0x8a: {  	s1 =	srdreg.scid  }
0x8b: {  	s0 =	sand.u32 $0x1, s1  }
0x8c: {  	s17 =	sshll.u32 s0, $0xA;
	s2 =	sadd.s32 s3, s2  }
0x8d: {  	s2 =	sadd.s32 s2, s17  }
0x8e: {  	[smem:$0x3FC7] =	sst s2  }
0x8f: {  	_ = 	snop  }
0x90: {  	s2 =	sld [smem:$0x3FD0];
	(tm) =	ssettm $0x1  }
0x91: {  	s18 =	sld [smem:$0x3FFB];
	_ =	sdelay $0x3  }
0x92: {  	_ =	strace s18  }
0x93: {  	s3 =	sld [smem:$0x3FFC];
	_ =	sdelay $0x3  }
0x94: {  	_ =	strace s3  }
0x95: {  	s3 =	sld [smem:$0x3FFD];
	_ =	sdelay $0x3  }
0x96: {  	_ =	strace s3  }
0x97: {  	_ =	strace $0x8FFFFFFF  }
0x98: {  	s19 =	sld [smem:$0x3FDB];
	_ =	sdelay $0x1  }
0x99: {  	s4 =	simm.s32 $_scs_section_size  }
0x9a: {  	s5 =	simm.s32 $_size__tile_overlayer_lowered;
	s6 =	simm.s32 $_tile_overlayer_lowered  }
0x9b: {  	s22 =	simm.s32 $0x1BFF;
	s21 =	sshll.u32 s6, $0x1;
	s3 =	sadd.s32 s4, s19  }
0x9c: {  	s7 =	simm.s32 $0x0;
	s20 =	sshll.u32 s5, $0x1;
	s5 =	sadd.s32 s21, s3  }
0x9d: {  	[timem:s7], [sflag:s22] =	dma.local [hbm:s5], s20  }
0x9e: {  	_ =	swait.ge [sflag:s22], s20  }
0x9f: {  	s4 =	ssub.s32 $0x0, s20;
	[sflag:s22] =	ssyncset.done $0x0  }
0xa0: {  	[sflag:s22] =	ssyncadd.s32 s4;
	_ =	sdelay $0x1  }
0xa1: {  	s23 =	simm.s32 $0x1B8B  }
0xa2: {  	_ =	swait.ge [sflag:s23], $0x1  }
0xa3: {  	[sflag:s23] =	ssyncset.done $0x0  }
0xa4: {  	s25 =	simm.s32 $0x1B8E;
	s24 =	sld [smem:$0x3FFE];
	[sflag:s23] =	ssyncadd.s32 $0xFFFFFFFF  }
0xa5: {  	s26 =	simm.s32 $execute0_lowered;
	[smem:$0x3FD2] =	sst s25  }
0xa6: {  	s5 =	sshll.u32 s26, $0x1;
	_ =	strace $0x80000046;
	[dreg:$0x1] =	wrdreg $0xFFFFFFFF  }
0xa7: {  	s28 =	simm.s32 $_size_execute0_lowered;
	s3 =	sadd.s32 s3, s5;
	[dreg:$0x0] =	wrdreg $0x0  }
0xa8: {  	s5 =	sshll.u32 s28, $0x1;
	[dreg:$0x2] =	wrdreg s3  }
0xa9: {  	[dreg:$0x3] =	wrdreg s5  }
0xaa: {  	[dreg:$0x4] =	wrdreg $0xC0  }
0xab: {  	_ =	task [dreg:s7], $0x5FFFF  }
0xac: {  	[dreg:$0x1] =	wrdreg $0xFFFFFFFF  }
0xad: {  	[dreg:$0x0] =	wrdreg $0x60  }
0xae: {  	[dreg:$0x2] =	wrdreg s24  }
0xaf: {  	[dreg:$0x3] =	wrdreg s2  }
0xb0: {  	[dreg:$0x4] =	wrdreg $0x9  }
0xb1: {  	_ =	task.clear_ibuf [dreg:s7], $0x5FFFF;
	_ =	strace $0x90000046  }
0xb2: {  	s29 =	simm.s32 $0x9;
	_ =	strace $0x80000048  }
0xb3: {  	_ =	swait.ge [sflag:s29], $0x1  }
0xb4: {  	[sflag:s29] =	ssyncadd.s32 $0xFFFFFFFF  }
0xb5: {  	_ =	strace $0x90000048  }
0xb6: {  	_ =	sfence  }
0xb7: {  	s30 =	sld [smem:$0x0];
	_ =	sdelay $0x2  }
0xb8: {  	s31 =	sshll.u32 s1, $0xD;
	s1 =	sshrl.u32 s1, $0x2  }
0xb9: {  	s3 =	sand.u32 $0x4000, s31;
	s1 =	sadd.s32 s1, s30  }
0xba: {  	s0 =	sor.u32 s3, s0;
	s1 =	sshll.u32 s1, $0x11  }
0xbb: {  	s0 =	sor.u32 s1, s0  }
0xbc: {  	s0 =	sadd.s32 $0x8F2B, s0  }
0xbd: {  	[sflag:s0] =	ssyncadd.remote.s32 $0x1  }
0xbe: {  	_ =	sfence.sel $0xFFFF  }
0xbf: {  	[dreg:$0x0] =	wrdreg $0xFFFFFFFF;
	(pc) =	sbr.abs _section_cstart, $3  }
0xc0: {  	[dreg:$0x1] =	wrdreg $0xFFFFFFFF  }
0xc1: {  	_ =	task.clear_ibuf [dreg:s7], $0x2FFFF;
	_ =	strace $0x9FFFFFFF  }
0xc2: {  	(tm) =	ssettm $0x7FFFFFFF  }
0xc3: {  	_ =	shalt  }
tec
execute0_lowered:
.L_overlay_start_1:
0x0: {  	(tag) =	ssettag $0x1  }
0x1: {  	s1 =	stileid.u32  }
0x2: {  	p0 =	sgt.u32 s1, $0x7  }
.Ltmp0:
0x3: {  	_ = 	snop;
	(pc) =	sbr.rel @p0 .LBB2_9-.Ltmp0, $4  }
0x4: {  	s3 =	rddreg [dreg:$0x0]  }
0x5: {  	s5 =	rddreg [dreg:$0x1];
	s2 =	simm.s32 $0x0  }
0x6: {  	[smem:$0x7FF] =	sst s2  }
0x7: {  	s0 =	rddreg [dreg:$0x2];
	_ =	strace $0x80000047  }
0x8: {  	s4 =	srdreg.scid;
	s6 =	sshll.u32 s1, $0x7  }
0x9: {  	s9 =	sadd.s32 $0x10600, s3;
	s12 =	simm.s32 $0x8000;
	s4 =	sand.u32 $0x1, s4  }
0xa: {  	s13 =	simm.s32 $0x10000;
	s7 =	sshll.u32 s4, $0x11;
	s8 =	smul.u32 $0x6000, s4  }
0xb: {  	s14 =	simm.s32 $0x0;
	s31 =	ssub.s32 $0x2, s4;
	s7 =	sor.u32 s6, s7  }
0xc: {  	s11 =	sshrl.u32 s31, $0x1;
	s7 =	sshrl.u32 s7, $0x3;
	s6 =	sor.u32 s6, s8  }
0xd: {  	s8 =	ssub.s32 s31, s11;
	s11 =	simm.s32 $0x4000;
	s10 =	sadd.s32 s7, s3  }
0xe: {  	s6 =	sshrl.u32 s6, $0x3;
	s3 =	sadd.s32 $0x8600, s10;
	s4 =	sadd.s32 $0x600, s10  }
0xf: {  	v1 =	vlaneseq.u32;
	s5 =	sadd.s32 s5, s6;
	s6 =	sadd.s32 s9, s7;
	s7 =	smax.u32 s8, $0x1  }
0x10: {  	v0 =	vimm.f32 $1.000000000e+10;
	v1 =	vor.u32 $0x80000000, v1;
	s8 =	simm.s32 $0x80;
	s9 =	simm.s32 $0x400;
	s10 =	simm.s32 $0x1  }
.LBB2_2:
0x11: {  	s16 =	simm.s32 $0x0  }
0x12: {  	[tilespmem:s16], [sflag:$0x1] =	stream.strided.gather [hbm4b:s6+s8], $0x4000, s9, s8, $0x38;
	[tilespmem:$0x10C00] =	vst v63  }
0x13: {  	_ =	swait.ge [sflag:s10], $0x4000  }
0x14: {  	[sflag:s10] =	ssyncset.done $0x0  }
0x15: {  	[sflag:s10] =	ssyncadd.s32 $0xFFFFC000  }
0x16: {  	[tilespmem:s11], [sflag:$0x1] =	stream.strided.gather [hbm4b:s3+s8], $0x4000, s9, s8, $0x38;
	[tilespmem:$0x10C00] =	vst v63  }
0x17: {  	_ =	swait.ge [sflag:s10], $0x4000  }
0x18: {  	[sflag:s10] =	ssyncset.done $0x0  }
0x19: {  	[sflag:s10] =	ssyncadd.s32 $0xFFFFC000  }
0x1a: {  	[tilespmem:s12], [sflag:$0x1] =	stream.strided.gather [hbm4b:s4+s8], $0x4000, s9, s8, $0x38;
	[tilespmem:$0x10C00] =	vst v63  }
0x1b: {  	_ =	swait.ge [sflag:s10], $0x4000  }
0x1c: {  	[sflag:s10] =	ssyncset.done $0x0  }
0x1d: {  	s15 =	simm.s32 $0x40;
	s17 =	simm.s32 $0x0;
	[sflag:s10] =	ssyncadd.s32 $0xFFFFC000  }
.LBB2_3:
0x1e: {  	p0 =	sne.s32 s15, $0xFFC0;
	[tilespmem:s17+$0xC000] =	vst v0;
	s17 =	smov.u32 s15;
	s15 =	sadd.s32 $0x40, s15  }
.Ltmp1:
0x1f: {  	(pc) =	sbr.rel @p0 .LBB2_3-.Ltmp1, $2  }
0x20: {  	_ =	sdelay $0x2  }
0x21: {  	s17 =	sshra.s32 s17, $0x2  }
0x22: {  	[tilespmem:s17+$0xC000] =	vst v0;
	s15 =	simm.s32 $0x0  }
.LBB2_5:
0x23: {  	v4 =	vmov s16;
	_ =	sdelay $0x2  }
0x24: {  	s28 =	smul.u32 $0x3, s15;
	_ =	sdelay $0x1  }
0x25: {  	v5 =	vmov s28;
	v2 =	vld.idx.msk [tilespmem:v4+s2+$0x0], $0xffff  }
0x26: {  	v6 =	vadd.s32 $0x1, v5;
	v3 =	vld.idx.msk [tilespmem:v4+s11+$0x0], $0xffff  }
0x27: {  	v7 =	vadd.s32 $0x2, v5;
	v4 =	vld.idx.msk [tilespmem:v4+s12+$0x0], $0xffff;
	_ =	sdelay $0x2  }
0x28: {  	[tilespmem:v5+s13+$0x0] =	vst.idx.msk $0x1, v2  }
0x29: {  	[tilespmem:v6+s13+$0x0] =	vst.idx.msk $0x1, v3  }
0x2a: {  	s19 =	simm.s32 $0x40;
	[tilespmem:v7+s13+$0x0] =	vst.idx.msk $0x1, v4  }
0x2b: {  	s16 =	simm.s32 $0x4040;
	v5 =	vld [tilespmem:s19+$0xFFFFFFC0]  }
0x2c: {  	v6 =	vld [tilespmem:s16+$0xFFFFFFC0]  }
0x2d: {  	s17 =	simm.s32 $0x8040  }
0x2e: {  	v7 =	vld [tilespmem:s17+$0xFFFFFFC0];
	_ =	sdelay $0x2  }
0x2f: {  	v5 =	vsub.f32 v5, v2;
	v6 =	vsub.f32 v6, v3;
	_ =	sdelay $0x1  }
0x30: {  	s18 =	simm.s32 $0xC040;
	v7 =	vsub.f32 v7, v4;
	v5 =	vmul.f32 v5, v5;
	v6 =	vmul.f32 v6, v6  }
0x31: {  	v8 =	vld [tilespmem:s18+$0xFFFFFFC0]  }
0x32: {  	v7 =	vmul.f32 v7, v7;
	v5 =	vadd.f32 v6, v5;
	_ =	sdelay $0x1  }
0x33: {  	v5 =	vadd.f32 v7, v5;
	_ =	sdelay $0x1  }
0x34: {  	v5 =	vmin.f32 v8, v5  }
0x35: {  	[tilespmem:s18+$0xFFFFFFC0] =	vst v5  }
0x36: {  	v6 =	vld [tilespmem:s19+$0xFFFFFFD0]  }
0x37: {  	v7 =	vld [tilespmem:s16+$0xFFFFFFD0];
	_ =	sdelay $0x1  }
0x38: {  	v8 =	vld [tilespmem:s17+$0xFFFFFFD0];
	_ =	sdelay $0x2  }
0x39: {  	v6 =	vsub.f32 v6, v2;
	v7 =	vsub.f32 v7, v3;
	_ =	sdelay $0x1  }
0x3a: {  	v8 =	vsub.f32 v8, v4;
	v6 =	vmul.f32 v6, v6;
	v7 =	vmul.f32 v7, v7  }
0x3b: {  	v9 =	vld [tilespmem:s18+$0xFFFFFFD0]  }
0x3c: {  	v6 =	vadd.f32 v7, v6;
	v7 =	vmul.f32 v8, v8;
	_ =	sdelay $0x1  }
0x3d: {  	v6 =	vadd.f32 v7, v6;
	_ =	sdelay $0x1  }
0x3e: {  	v6 =	vmin.f32 v9, v6  }
0x3f: {  	[tilespmem:s18+$0xFFFFFFD0] =	vst v6  }
0x40: {  	v7 =	vld [tilespmem:s19+$0xFFFFFFE0]  }
0x41: {  	v8 =	vld [tilespmem:s16+$0xFFFFFFE0];
	_ =	sdelay $0x1  }
0x42: {  	v9 =	vld [tilespmem:s17+$0xFFFFFFE0];
	_ =	sdelay $0x2  }
0x43: {  	v7 =	vsub.f32 v7, v2;
	v8 =	vsub.f32 v8, v3;
	_ =	sdelay $0x1  }
0x44: {  	v9 =	vsub.f32 v9, v4;
	v7 =	vmul.f32 v7, v7;
	v8 =	vmul.f32 v8, v8  }
0x45: {  	v10 =	vld [tilespmem:s18+$0xFFFFFFE0]  }
0x46: {  	v7 =	vadd.f32 v8, v7;
	v8 =	vmul.f32 v9, v9;
	_ =	sdelay $0x1  }
0x47: {  	v7 =	vadd.f32 v8, v7;
	_ =	sdelay $0x1  }
0x48: {  	v8 =	vmin.f32 v10, v7  }
0x49: {  	[tilespmem:s18+$0xFFFFFFE0] =	vst v8  }
0x4a: {  	v7 =	vld [tilespmem:s19+$0xFFFFFFF0]  }
0x4b: {  	v9 =	vld [tilespmem:s16+$0xFFFFFFF0];
	_ =	sdelay $0x1  }
0x4c: {  	v10 =	vld [tilespmem:s17+$0xFFFFFFF0];
	_ =	sdelay $0x2  }
0x4d: {  	v7 =	vsub.f32 v7, v2;
	v9 =	vsub.f32 v9, v3;
	_ =	sdelay $0x1  }
0x4e: {  	v10 =	vsub.f32 v10, v4;
	v7 =	vmul.f32 v7, v7;
	v9 =	vmul.f32 v9, v9  }
0x4f: {  	v11 =	vld [tilespmem:s18+$0xFFFFFFF0]  }
0x50: {  	v7 =	vadd.f32 v9, v7;
	v9 =	vmul.f32 v10, v10;
	_ =	sdelay $0x1  }
0x51: {  	v7 =	vadd.f32 v9, v7;
	_ =	sdelay $0x1  }
0x52: {  	v10 =	vmin.f32 v11, v7  }
0x53: {  	[tilespmem:s18+$0xFFFFFFF0] =	vst v10  }
0x54: {  	v7 =	vld [tilespmem:s19+$0x0]  }
0x55: {  	v9 =	vld [tilespmem:s16+$0x0];
	_ =	sdelay $0x1  }
0x56: {  	v11 =	vld [tilespmem:s17+$0x0];
	_ =	sdelay $0x2  }
0x57: {  	v7 =	vsub.f32 v7, v2;
	v9 =	vsub.f32 v9, v3;
	_ =	sdelay $0x1  }
0x58: {  	v11 =	vsub.f32 v11, v4;
	v7 =	vmul.f32 v7, v7;
	v9 =	vmul.f32 v9, v9  }
0x59: {  	v12 =	vld [tilespmem:s18+$0x0]  }
0x5a: {  	v7 =	vadd.f32 v9, v7;
	v9 =	vmul.f32 v11, v11;
	_ =	sdelay $0x1  }
0x5b: {  	v7 =	vadd.f32 v9, v7;
	_ =	sdelay $0x1  }
0x5c: {  	v9 =	vmin.f32 v12, v7  }
0x5d: {  	[tilespmem:s18+$0x0] =	vst v9  }
0x5e: {  	v7 =	vld [tilespmem:s19+$0x10]  }
0x5f: {  	v11 =	vld [tilespmem:s16+$0x10];
	_ =	sdelay $0x1  }
0x60: {  	v12 =	vld [tilespmem:s17+$0x10];
	_ =	sdelay $0x2  }
0x61: {  	v7 =	vsub.f32 v7, v2;
	v11 =	vsub.f32 v11, v3;
	_ =	sdelay $0x1  }
0x62: {  	v12 =	vsub.f32 v12, v4;
	v7 =	vmul.f32 v7, v7;
	v11 =	vmul.f32 v11, v11  }
0x63: {  	v13 =	vld [tilespmem:s18+$0x10]  }
0x64: {  	v7 =	vadd.f32 v11, v7;
	v11 =	vmul.f32 v12, v12;
	_ =	sdelay $0x1  }
0x65: {  	v7 =	vadd.f32 v11, v7;
	_ =	sdelay $0x1  }
0x66: {  	v11 =	vmin.f32 v13, v7  }
0x67: {  	[tilespmem:s18+$0x10] =	vst v11  }
0x68: {  	v7 =	vld [tilespmem:s19+$0x20]  }
0x69: {  	v12 =	vld [tilespmem:s16+$0x20];
	_ =	sdelay $0x1  }
0x6a: {  	v13 =	vld [tilespmem:s17+$0x20];
	_ =	sdelay $0x2  }
0x6b: {  	v7 =	vsub.f32 v7, v2;
	v12 =	vsub.f32 v12, v3;
	_ =	sdelay $0x1  }
0x6c: {  	v13 =	vsub.f32 v13, v4;
	v7 =	vmul.f32 v7, v7;
	v12 =	vmul.f32 v12, v12  }
0x6d: {  	v14 =	vld [tilespmem:s18+$0x20]  }
0x6e: {  	v7 =	vadd.f32 v12, v7;
	v12 =	vmul.f32 v13, v13;
	_ =	sdelay $0x1  }
0x6f: {  	v7 =	vadd.f32 v12, v7;
	_ =	sdelay $0x1  }
0x70: {  	v12 =	vmin.f32 v14, v7  }
0x71: {  	s29 =	simm.s32 $0x2;
	s20 =	simm.s32 $0x0;
	vm0 =	vgt.f32 v6, v5;
	vm1 =	vgt.f32 v10, v8;
	v10 =	vmax.f32 v8, v10;
	[tilespmem:s18+$0x20] =	vst v12  }
0x72: {  	s30 =	simm.s32 $0x3;
	s31 =	simm.s32 $0x1;
	v7 =	vmax.f32 v5, v6;
	v5 =	vmov s29;
	v6 =	vmov s20;
	v13 =	vld [tilespmem:s19+$0x30]  }
0x73: {  	v8 =	vsel vm1, s30, v5;
	vm1 =	vgt.f32 v10, v7;
	v15 =	vsel vm0, s31, v6;
	v14 =	vld [tilespmem:s16+$0x30]  }
0x74: {  	v8 =	vsel vm1, v8, v15;
	v15 =	vld [tilespmem:s17+$0x30];
	_ =	sdelay $0x2  }
0x75: {  	s21 =	simm.s32 $0xF;
	v6 =	vimm.f32 $-1.000000000e+00;
	v5 =	vimm.s32 $0x0  }
0x76: {  	s22 =	simm.s32 $0xC0;
	s20 =	simm.s32 $0x7;
	vm0 =	vgt.f32 v11, v9;
	s19 =	simm.s32 $0xC040;
	v13 =	vsub.f32 v13, v2;
	v14 =	vsub.f32 v14, v3  }
.LBB2_6:
0x77: {  	v15 =	vsub.f32 v15, v4;
	s18 =	sadd.s32 $0x80, s18;
	s17 =	sadd.s32 $0x80, s17;
	s16 =	sadd.s32 $0x80, s16  }
0x78: {  	p0 =	sne.s32 s21, $0x3FF;
	v13 =	vmul.f32 v13, v13;
	s23 =	smov.u32 s21;
	s21 =	sadd.s32 $0x8, s21;
	v14 =	vmul.f32 v14, v14;
	v16 =	vld [tilespmem:s19+$0x30]  }
0x79: {  	v15 =	vmul.f32 v15, v15  }
0x7a: {  	v13 =	vadd.f32 v14, v13;
	_ =	sdelay $0x1  }
0x7b: {  	v13 =	vadd.f32 v15, v13  }
0x7c: {  	s24 =	sadd.s32 $0xFFFFFFFD, s20;
	s25 =	sadd.s32 $0xFFFFFFFF, s20;
	v7 =	vmax.f32 v7, v10  }
0x7d: {  	v9 =	vmax.f32 v9, v11;
	v10 =	vmov s25;
	v13 =	vmin.f32 v16, v13  }
0x7e: {  	v11 =	vmov s24;
	s24 =	sadd.s32 $0xFFFFFFFE, s20;
	[tilespmem:s19+$0x30] =	vst v13;
	vm1 =	vgt.f32 v13, v12;
	v12 =	vmax.f32 v12, v13;
	s19 =	smov.u32 s18  }
0x7f: {  	v13 =	vld [tilespmem:s22+$0xFFFFFFC0];
	v10 =	vsel vm1, s20, v10;
	vm1 =	vgt.f32 v12, v9;
	v9 =	vmax.f32 v9, v12;
	s20 =	smov.u32 s23  }
0x80: {  	v11 =	vsel vm0, s24, v11;
	v12 =	vld [tilespmem:s16+$0xFFFFFFC0];
	vm0 =	vgt.f32 v9, v7;
	v7 =	vmax.f32 v7, v9  }
0x81: {  	v10 =	vsel vm1, v10, v11;
	v9 =	vld [tilespmem:s17+$0xFFFFFFC0];
	vm1 =	vgt.f32 v7, v6;
	v6 =	vmax.f32 v6, v7  }
0x82: {  	v7 =	vsel vm0, v10, v8  }
0x83: {  	v5 =	vsel vm1, v7, v5  }
0x84: {  	v7 =	vsub.f32 v13, v2  }
0x85: {  	v8 =	vsub.f32 v12, v3  }
0x86: {  	v9 =	vsub.f32 v9, v4  }
0x87: {  	v7 =	vmul.f32 v7, v7;
	v8 =	vmul.f32 v8, v8  }
0x88: {  	v9 =	vmul.f32 v9, v9;
	v10 =	vld [tilespmem:s18+$0xFFFFFFC0]  }
0x89: {  	v7 =	vadd.f32 v8, v7;
	_ =	sdelay $0x1  }
0x8a: {  	v7 =	vadd.f32 v9, v7;
	_ =	sdelay $0x1  }
0x8b: {  	v7 =	vmin.f32 v10, v7  }
0x8c: {  	[tilespmem:s18+$0xFFFFFFC0] =	vst v7  }
0x8d: {  	v8 =	vld [tilespmem:s22+$0xFFFFFFD0]  }
0x8e: {  	v9 =	vld [tilespmem:s16+$0xFFFFFFD0];
	_ =	sdelay $0x1  }
0x8f: {  	v10 =	vld [tilespmem:s17+$0xFFFFFFD0];
	_ =	sdelay $0x1  }
0x90: {  	v8 =	vsub.f32 v8, v2  }
0x91: {  	v9 =	vsub.f32 v9, v3;
	_ =	sdelay $0x1  }
0x92: {  	v8 =	vmul.f32 v8, v8;
	v10 =	vsub.f32 v10, v4;
	v9 =	vmul.f32 v9, v9  }
0x93: {  	v11 =	vld [tilespmem:s18+$0xFFFFFFD0]  }
0x94: {  	v8 =	vadd.f32 v9, v8;
	v9 =	vmul.f32 v10, v10;
	_ =	sdelay $0x1  }
0x95: {  	v8 =	vadd.f32 v9, v8;
	_ =	sdelay $0x1  }
0x96: {  	v8 =	vmin.f32 v11, v8  }
0x97: {  	[tilespmem:s18+$0xFFFFFFD0] =	vst v8;
	vm0 =	vgt.f32 v8, v7;
	v7 =	vmax.f32 v7, v8  }
0x98: {  	v8 =	vld [tilespmem:s22+$0xFFFFFFE0]  }
0x99: {  	v9 =	vld [tilespmem:s16+$0xFFFFFFE0];
	_ =	sdelay $0x1  }
0x9a: {  	v10 =	vld [tilespmem:s17+$0xFFFFFFE0];
	_ =	sdelay $0x1  }
0x9b: {  	v8 =	vsub.f32 v8, v2  }
0x9c: {  	v9 =	vsub.f32 v9, v3  }
0x9d: {  	v8 =	vmul.f32 v8, v8  }
0x9e: {  	v10 =	vsub.f32 v10, v4;
	v9 =	vmul.f32 v9, v9  }
0x9f: {  	v11 =	vld [tilespmem:s18+$0xFFFFFFE0]  }
0xa0: {  	v8 =	vadd.f32 v9, v8;
	v9 =	vmul.f32 v10, v10;
	_ =	sdelay $0x1  }
0xa1: {  	v8 =	vadd.f32 v9, v8;
	_ =	sdelay $0x1  }
0xa2: {  	v8 =	vmin.f32 v11, v8  }
0xa3: {  	[tilespmem:s18+$0xFFFFFFE0] =	vst v8  }
0xa4: {  	v9 =	vld [tilespmem:s22+$0xFFFFFFF0]  }
0xa5: {  	v10 =	vld [tilespmem:s16+$0xFFFFFFF0];
	_ =	sdelay $0x1  }
0xa6: {  	v11 =	vld [tilespmem:s17+$0xFFFFFFF0];
	_ =	sdelay $0x1  }
0xa7: {  	v9 =	vsub.f32 v9, v2  }
0xa8: {  	v10 =	vsub.f32 v10, v3  }
0xa9: {  	v9 =	vmul.f32 v9, v9  }
0xaa: {  	v11 =	vsub.f32 v11, v4;
	v10 =	vmul.f32 v10, v10  }
0xab: {  	v12 =	vld [tilespmem:s18+$0xFFFFFFF0]  }
0xac: {  	v9 =	vadd.f32 v10, v9;
	v10 =	vmul.f32 v11, v11;
	_ =	sdelay $0x1  }
0xad: {  	v9 =	vadd.f32 v10, v9;
	_ =	sdelay $0x1  }
0xae: {  	s23 =	sadd.s32 $0xFFFFFFF9, s20;
	s24 =	sadd.s32 $0xFFFFFFFB, s20;
	v9 =	vmin.f32 v12, v9  }
0xaf: {  	v11 =	vmov s24;
	s24 =	sadd.s32 $0xFFFFFFFC, s20;
	[tilespmem:s18+$0xFFFFFFF0] =	vst v9;
	vm1 =	vgt.f32 v9, v8;
	v10 =	vmax.f32 v8, v9  }
0xb0: {  	v8 =	vmov s23;
	s23 =	sadd.s32 $0xFFFFFFFA, s20;
	v9 =	vld [tilespmem:s22+$0x0];
	v11 =	vsel vm1, s24, v11;
	vm1 =	vgt.f32 v10, v7  }
0xb1: {  	v8 =	vsel vm0, s23, v8;
	v12 =	vld [tilespmem:s16+$0x0]  }
0xb2: {  	v8 =	vsel vm1, v11, v8  }
0xb3: {  	v11 =	vld [tilespmem:s17+$0x0];
	_ =	sdelay $0x1  }
0xb4: {  	v9 =	vsub.f32 v9, v2  }
0xb5: {  	v12 =	vsub.f32 v12, v3  }
0xb6: {  	v9 =	vmul.f32 v9, v9  }
0xb7: {  	v11 =	vsub.f32 v11, v4;
	v12 =	vmul.f32 v12, v12  }
0xb8: {  	v13 =	vld [tilespmem:s18+$0x0]  }
0xb9: {  	v9 =	vadd.f32 v12, v9;
	v11 =	vmul.f32 v11, v11;
	_ =	sdelay $0x1  }
0xba: {  	v9 =	vadd.f32 v11, v9;
	_ =	sdelay $0x1  }
0xbb: {  	v9 =	vmin.f32 v13, v9  }
0xbc: {  	[tilespmem:s18+$0x0] =	vst v9  }
0xbd: {  	v11 =	vld [tilespmem:s22+$0x10]  }
0xbe: {  	v12 =	vld [tilespmem:s16+$0x10]  }
0xbf: {  	v13 =	vld [tilespmem:s17+$0x10];
	_ =	sdelay $0x2  }
0xc0: {  	v11 =	vsub.f32 v11, v2  }
0xc1: {  	v12 =	vsub.f32 v12, v3  }
0xc2: {  	v13 =	vsub.f32 v13, v4  }
0xc3: {  	v11 =	vmul.f32 v11, v11;
	v12 =	vmul.f32 v12, v12  }
0xc4: {  	v14 =	vld [tilespmem:s18+$0x10]  }
0xc5: {  	v11 =	vadd.f32 v12, v11;
	v12 =	vmul.f32 v13, v13;
	_ =	sdelay $0x1  }
0xc6: {  	v11 =	vadd.f32 v12, v11;
	_ =	sdelay $0x1  }
0xc7: {  	v11 =	vmin.f32 v14, v11  }
0xc8: {  	[tilespmem:s18+$0x10] =	vst v11;
	vm0 =	vgt.f32 v11, v9  }
0xc9: {  	v12 =	vld [tilespmem:s22+$0x20]  }
0xca: {  	v13 =	vld [tilespmem:s16+$0x20]  }
0xcb: {  	v14 =	vld [tilespmem:s17+$0x20];
	_ =	sdelay $0x2  }
0xcc: {  	v12 =	vsub.f32 v12, v2  }
0xcd: {  	v13 =	vsub.f32 v13, v3  }
0xce: {  	v14 =	vsub.f32 v14, v4;
	v12 =	vmul.f32 v12, v12  }
0xcf: {  	v13 =	vmul.f32 v13, v13  }
0xd0: {  	v15 =	vld [tilespmem:s18+$0x20]  }
0xd1: {  	v12 =	vadd.f32 v13, v12;
	v13 =	vmul.f32 v14, v14;
	_ =	sdelay $0x1  }
0xd2: {  	v12 =	vadd.f32 v13, v12;
	_ =	sdelay $0x1  }
0xd3: {  	v12 =	vmin.f32 v15, v12  }
0xd4: {  	[tilespmem:s18+$0x20] =	vst v12  }
0xd5: {  	v13 =	vld [tilespmem:s22+$0x30]  }
0xd6: {  	v14 =	vld [tilespmem:s16+$0x30]  }
.Ltmp2:
0xd7: {  	v15 =	vld [tilespmem:s17+$0x30];
	(pc) =	sbr.rel @p0 .LBB2_6-.Ltmp2, $3  }
0xd8: {  	_ =	sdelay $0x1  }
0xd9: {  	v13 =	vsub.f32 v13, v2  }
0xda: {  	s22 =	sadd.s32 $0x80, s22;
	v14 =	vsub.f32 v14, v3  }
0xdb: {  	_ = 	snop  }
0xdc: {  	v2 =	vsub.f32 v15, v4;
	v3 =	vmul.f32 v13, v13;
	v57 =	vmul.f32 v14, v14  }
0xdd: {  	v58 =	vld [tilespmem:s19+$0x30]  }
0xde: {  	v2 =	vmul.f32 v2, v2;
	v3 =	vadd.f32 v57, v3;
	_ =	sdelay $0x1  }
0xdf: {  	v2 =	vadd.f32 v2, v3;
	_ =	sdelay $0x1  }
0xe0: {  	v2 =	vmin.f32 v58, v2  }
0xe1: {  	v3 =	vmax.f32 v9, v11;
	v59 =	vmax.f32 v12, v2  }
0xe2: {  	v7 =	vmax.f32 v7, v10;
	v9 =	vmax.f32 v3, v59  }
0xe3: {  	v10 =	vmax.f32 v7, v9  }
0xe4: {  	v60 =	vmax.f32 v6, v10  }
0xe5: {  	(xrf0) =	vmax.scan.msk.f32 $0xffff, v60;
	_ =	sdelay $0x1  }
0xe6: {  	s16 =	sadd.s32 $0xFFFFFFFD, s20;
	s17 =	sadd.s32 $0xFFFFFFFF, s20  }
0xe7: {  	s30 =	sadd.s32 $0xFFFFFFFE, s20;
	v61 =	vmov s17;
	v62 =	vmov s16;
	vm1 =	vgt.f32 v2, v12  }
0xe8: {  	v13 =	vsel vm1, s20, v61;
	vm12 =	vgt.f32 v59, v3;
	v3 =	vsel vm0, s30, v62  }
0xe9: {  	vm13 =	vgt.f32 v9, v7;
	v3 =	vsel vm12, v13, v3  }
0xea: {  	vm14 =	vgt.f32 v10, v6;
	v3 =	vsel vm13, v3, v8;
	v63, _, _ =	vpop (xrf0)  }
0xeb: {  	v3 =	vsel vm14, v3, v5;
	v4 =	vbroadcast v63, $0xF  }
0xec: {  	v3 =	vshll.u32 v3, $0x4  }
0xed: {  	v3 =	vxor.u32 v1, v3;
	vm15 =	veq.f32 v60, v4  }
0xee: {  	v3 =	vnsel vm15, $0xFFFFFFFF, v3  }
0xef: {  	(xrf0) =	vmin.scan.msk.u32 $0xffff, v3;
	_ =	sdelay $0x5  }
0xf0: {  	v3, _, _ =	vpop (xrf0)  }
0xf1: {  	(v2sf) =	vpush v3, $0xF;
	_ =	sdelay $0x9  }
0xf2: {  	s15 =	sadd.s32 $0x1, s15  }
0xf3: {  	p0 =	sne.s32 s15, $0x400  }
.Ltmp3:
0xf4: {  	_ = 	snop;
	(pc) =	sbr.rel @p0 .LBB2_5-.Ltmp3, $3  }
0xf5: {  	_ =	sdelay $0x1  }
0xf6: {  	s31 =	spop (v2sf)  }
0xf7: {  	[tilespmem:s19+$0x30] =	vst v2;
	s16 =	sxor.u32 $0x80000000, s31  }
0xf8: {  	s14 =	sadd.s32 $0x1, s14  }
0xf9: {  	p0 =	sne.s32 s14, s7  }
.Ltmp4:
0xfa: {  	_ = 	snop;
	(pc) =	sbr.rel @p0 .LBB2_2-.Ltmp4, $4  }
0xfb: {  	[hbm4b:s5+s8] =	stream.strided.scatter [tilespmem:s13], [sflag:$0x1], $0xC00, s9, s8, $0x38;
	[tilespmem:$0x10C00] =	vst v63  }
0xfc: {  	_ =	swait.ge [sflag:s10], $0xC00  }
0xfd: {  	[sflag:s10] =	ssyncset.done $0x0  }
0xfe: {  	[sflag:s10] =	ssyncadd.s32 $0xFFFFF400  }
.LBB2_9:
0xff: {  	_ =	sfence.sel $0x180000  }
0x100: {  	[bflag:$0x0] =	sbarrier.arrive $0xFFFF  }
0x101: {  	p0 =	sne.s32 s1, $0x0;
	_ =	strace $0x90000047  }
0x102: {  	s0 =	sadd.s32 @!p0 $0x100000, s0;
	[bflag:$0x2] =	sbarrier.arrive $0xFFFF  }
0x103: {  	[sflag:s0] =	ssyncadd.tile.s32 @!p0 $0x1;
	_ =	shalt  }
.Lfunc_end2:
_tile_overlayer_lowered:
.L_overlay_start_2:
0x104: {  	(tag) =	ssettag $0x2  }
0x105: {  	s0 =	rddreg [dreg:$0x0];
	s2 =	stileid.u32  }
0x106: {  	s1 =	rddreg [dreg:$0x1];
	p0 =	sne.s32 s2, $0x0  }
0x107: {  	s3 =	rddreg [dreg:$0x2];
	[bflag:$0x3] =	sbarrier.arrive $0xFFFF;
	s2 =	simm.s32 @!p0 $0x1C01  }
0x108: {  	[timem:s3], [sflag:s2] =	dma.local @!p0 [hbm:s0], s1  }
0x109: {  	s0 =	simm.s32 @!p0 $0x1  }
0x10a: {  	_ =	swait.ge @!p0 [sflag:s0], s1  }
0x10b: {  	s1 =	ssub.s32 @!p0 $0x0, s1;
	[sflag:s0] =	ssyncset.done @!p0 $0x0  }
0x10c: {  	[sflag:s0] =	ssyncadd.s32 @!p0 s1  }
0x10d: {  	[bflag:$0x3] =	sbarrier.arrive $0xFFFF  }
0x10e: {  	_ =	shalt  }

</sc_bundles>
